<compile_context>
chip_gen: v7x
topology: tpu7x:2x2x1
jax: 0.10.2.dev20260603
libtpu: 0.0.44.dev20260713+nightly
codegen_flags: <defaults>
</compile_context>

<pallas_src>
import functools

import jax
import jax.numpy as jnp
from jax import lax
from jax.experimental import pallas as pl
from jax.experimental.pallas import tpu as pltpu
from jax.experimental.pallas import tpu_sc as plsc

_MAX_ENTITY = 5976
_GROUP_MAX = 12
_ENT_DIM = 102
_GRP_DIM = 26
_D = 128
_NUM_GLYPHS = 6000
_GP = 6144
_EP = 5984
_GTR = 16
_NC, _NS = 2, 16
_NW = _NC * _NS
_ACHUNK = 128


def _renorm_body(e_ref, g_ref, eo_ref, go_ref):
    x = e_ref[...]
    s = jnp.sum(x * x, axis=1, keepdims=True)
    scale = jnp.minimum(1.0, 1.0 / jnp.maximum(jnp.sqrt(s), 1e-7))
    eo_ref[...] = x * scale

    y = g_ref[...]
    s = jnp.sum(y * y, axis=1, keepdims=True)
    scale = jnp.minimum(1.0, 1.0 / jnp.maximum(jnp.sqrt(s), 1e-7))
    y = y * scale
    go_ref[...] = jnp.concatenate(
        [y[:, _GRP_DIM:], y[:, :_GRP_DIM]], axis=1)


_renorm = pl.pallas_call(
    _renorm_body,
    out_shape=(
        jax.ShapeDtypeStruct((_EP, _D), jnp.float32),
        jax.ShapeDtypeStruct((_GTR, _D), jnp.float32),
    ),
)


_NBUF = 3


def _sc_body(it, cb, ern, gsn, eidx, gidx, gly, out,
             eidx_v, gidx_v, cbuf, c_sp,
             ib0, ib1, ib2, ob0, ob1, ob2,
             si0, si1, si2, sg0, sg1, sg2, sw0, sw1, sw2):
    cid = lax.axis_index("c")
    sid = lax.axis_index("s")
    rows_a = _GP // _NS
    rw = it * cb
    ibs = (ib0, ib1, ib2)
    obs = (ob0, ob1, ob2)
    sis = (si0, si1, si2)
    sgs = (sg0, sg1, sg2)
    sws = (sw0, sw1, sw2)

    def chunk_a(j, carry):
        base = sid * rows_a + j * _ACHUNK
        pltpu.sync_copy(eidx.at[pl.ds(base, _ACHUNK)], eidx_v)
        pltpu.sync_copy(gidx.at[pl.ds(base, _ACHUNK)], gidx_v)
        pltpu.async_copy(ern.at[eidx_v], cbuf, sg0).wait()
        pltpu.async_copy(gsn.at[gidx_v], cbuf, sg0, add=True).wait()
        pltpu.sync_copy(cbuf, c_sp.at[pl.ds(base, _ACHUNK)])
        return carry

    lax.fori_loop(0, rows_a // _ACHUNK, chunk_a, 0)
    plsc.subcore_barrier()

    w = sid * _NC + cid

    def start_i(i, b):
        pltpu.async_copy(gly.at[pl.ds(w * rw + i * cb, cb)], ibs[b], sis[b])

    def wait_i(b):
        pltpu.make_async_copy(
            gly.at[pl.ds(w * rw, cb)], ibs[b], sis[b]).wait()

    def start_g(b):
        pltpu.async_copy(c_sp.at[ibs[b]], obs[b], sgs[b])

    def wait_g(b):
        pltpu.make_async_copy(c_sp.at[ibs[b]], obs[b], sgs[b]).wait()

    def start_w(i, b):
        pltpu.async_copy(obs[b], out.at[pl.ds(w * rw + i * cb, cb)], sws[b])

    def wait_w(b):
        pltpu.make_async_copy(
            obs[b], out.at[pl.ds(w * rw, cb)], sws[b]).wait()

    for b in range(_NBUF):
        start_i(b, b)
    for b in range(_NBUF):
        wait_i(b)
        start_g(b)

    def ring(k, carry):
        for b in range(_NBUF):
            i = k * _NBUF + b
            wait_g(b)
            start_w(i, b)

            @pl.when(k < it // _NBUF - 1)
            def _():
                start_i(i + _NBUF, b)
                wait_w(b)
                wait_i(b)
                start_g(b)

        return carry

    lax.fori_loop(0, it // _NBUF, ring, 0)
    for b in range(_NBUF):
        wait_w(b)


@functools.lru_cache(maxsize=None)
def _make_sc_call(n_rows):
    assert n_rows % _NW == 0
    rw = n_rows // _NW
    cb = next(d for d in range(128, 0, -8)
              if rw % d == 0 and (rw // d) % _NBUF == 0)
    it = rw // cb
    mesh = plsc.VectorSubcoreMesh(
        core_axis_name="c", subcore_axis_name="s",
        num_cores=_NC, num_subcores=_NS)
    call = pl.kernel(
        functools.partial(_sc_body, it, cb),
        out_type=jax.ShapeDtypeStruct((n_rows, _D), jnp.float32),
        mesh=mesh,
        scratch_types=[
            pltpu.VMEM((_ACHUNK,), jnp.int32),
            pltpu.VMEM((_ACHUNK,), jnp.int32),
            pltpu.VMEM((_ACHUNK, _D), jnp.float32),
            pltpu.VMEM_SHARED((_GP, _D), jnp.float32),
            pltpu.VMEM((cb,), jnp.int32),
            pltpu.VMEM((cb,), jnp.int32),
            pltpu.VMEM((cb,), jnp.int32),
            pltpu.VMEM((cb, _D), jnp.float32),
            pltpu.VMEM((cb, _D), jnp.float32),
            pltpu.VMEM((cb, _D), jnp.float32),
            pltpu.SemaphoreType.DMA,
            pltpu.SemaphoreType.DMA,
            pltpu.SemaphoreType.DMA,
            pltpu.SemaphoreType.DMA,
            pltpu.SemaphoreType.DMA,
            pltpu.SemaphoreType.DMA,
            pltpu.SemaphoreType.DMA,
            pltpu.SemaphoreType.DMA,
            pltpu.SemaphoreType.DMA,
        ],
    )
    return call


def kernel(glyphs, gl_lookup, entity_table, group_table):
    ent_rn, grp_sh = _renorm(
        jnp.pad(entity_table,
                ((0, _EP - (_MAX_ENTITY + 1)), (0, _D - _ENT_DIM))),
        jnp.pad(group_table,
                ((0, _GTR - (_GROUP_MAX + 1)), (0, _D - _GRP_DIM))),
    )
    gl_grp = jnp.pad(gl_lookup[:, 0], (0, _GP - _NUM_GLYPHS))
    gl_ent = jnp.pad(gl_lookup[:, 1], (0, _GP - _NUM_GLYPHS))
    b, r, c = glyphs.shape
    gly = glyphs.transpose(1, 2, 0).reshape(-1)
    out = _make_sc_call(gly.shape[0])(ent_rn, grp_sh, gl_ent, gl_grp, gly)
    return out.reshape(r, c, b, _D).transpose(2, 0, 1, 3)

# --- scband reference (transcript-rebuilt; emitter-appended) ---
"""Pipeline reference for scband-glyph-embedding-13632226198025 (READ-ONLY COPY).

The authoritative reference and input builder live on the scoring server;
editing this copy changes nothing except your own understanding.
"""

import jax, jax.numpy as jnp
import numpy as np

MAX_ENTITY = 5976
GROUP_MAX = 12
NUM_GLYPHS = 6000
EMBEDDING_DIM = 128
ENT_DIM = int(4 * EMBEDDING_DIM // 5)  # 102
GRP_DIM = EMBEDDING_DIM - ENT_DIM      # 26


def setup_inputs(seed: int = 0) -> dict:
    key = jax.random.key(seed)
    k1, k2, k3, k4, k5 = jax.random.split(key, 5)
    glyphs = jax.random.randint(k1, (512, 21, 79), 0, NUM_GLYPHS, dtype=jnp.int32)
    # buffer: glyph -> (group, entity) lookup table; padding ids included in range
    gl_group = jax.random.randint(k2, (NUM_GLYPHS,), 0, GROUP_MAX + 1, dtype=jnp.int32)
    gl_entity = jax.random.randint(k3, (NUM_GLYPHS,), 0, MAX_ENTITY + 1, dtype=jnp.int32)
    gl_lookup = jnp.stack([gl_group, gl_entity], axis=-1)
    # embedding tables (torch default init: N(0,1)); padding rows zeroed
    entity_table = jax.random.normal(k4, (MAX_ENTITY + 1, ENT_DIM), dtype=jnp.float32)
    entity_table = entity_table.at[MAX_ENTITY].set(0.0)
    group_table = jax.random.normal(k5, (GROUP_MAX + 1, GRP_DIM), dtype=jnp.float32)
    group_table = group_table.at[GROUP_MAX].set(0.0)
    return {"glyphs": glyphs, "gl_lookup": gl_lookup,
            "entity_table": entity_table, "group_table": group_table}


def _embed_max_norm(table, idx, padding_idx, max_norm=1.0):
    # torch.nn.Embedding(max_norm=1.0): rows renormalized to L2 norm <= 1 before lookup
    norms = jnp.linalg.norm(table, axis=-1, keepdims=True)
    scale = jnp.minimum(1.0, max_norm / jnp.maximum(norms, 1e-7))
    table_rn = table * scale
    out = jnp.take(table_rn, idx, axis=0)
    # padding row contributes zeros
    mask = (idx != padding_idx)[..., None].astype(out.dtype)
    return out * mask


def reference(glyphs, gl_lookup, entity_table, group_table):
    pairs = jnp.take(gl_lookup, glyphs, axis=0)  # [..., 2]
    grp = pairs[..., 0]
    ent = pairs[..., 1]
    e = _embed_max_norm(entity_table, ent, MAX_ENTITY)
    g = _embed_max_norm(group_table, grp, GROUP_MAX)
    return jnp.concatenate([e, g], axis=-1)

if __name__ == "__main__":
    import jax
    _d = setup_inputs()
    print(jax.jit(kernel)(*tuple(_d.values())))

</pallas_src>

<mosaic_0001>
#map = affine_map<(d0, d1) -> (0, 0)>
#map1 = affine_map<(d0, d1) -> (0)>
module attributes {stable_mosaic.version = 14 : i64} {
  func.func @_sc_body(%arg0: i32, %arg1: i32, %arg2: memref<5984x128xf32, #tpu.memory_space<hbm>>, %arg3: memref<16x128xf32, #tpu.memory_space<hbm>>, %arg4: memref<6144xi32, #tpu.memory_space<hbm>>, %arg5: memref<6144xi32, #tpu.memory_space<hbm>>, %arg6: memref<849408xi32, #tpu.memory_space<hbm>>, %arg7: memref<849408x128xf32, #tpu.memory_space<hbm>>, %arg8: memref<128xi32, #tpu.memory_space<vmem>>, %arg9: memref<128xi32, #tpu.memory_space<vmem>>, %arg10: memref<128x128xf32, #tpu.memory_space<vmem>>, %arg11: memref<6144x128xf32, #tpu.memory_space<vmem_shared>>, %arg12: memref<112xi32, #tpu.memory_space<vmem>>, %arg13: memref<112xi32, #tpu.memory_space<vmem>>, %arg14: memref<112xi32, #tpu.memory_space<vmem>>, %arg15: memref<112x128xf32, #tpu.memory_space<vmem>>, %arg16: memref<112x128xf32, #tpu.memory_space<vmem>>, %arg17: memref<112x128xf32, #tpu.memory_space<vmem>>, %arg18: memref<!tpu.dma_semaphore, #tpu.memory_space<semaphore_mem>>, %arg19: memref<!tpu.dma_semaphore, #tpu.memory_space<semaphore_mem>>, %arg20: memref<!tpu.dma_semaphore, #tpu.memory_space<semaphore_mem>>, %arg21: memref<!tpu.dma_semaphore, #tpu.memory_space<semaphore_mem>>, %arg22: memref<!tpu.dma_semaphore, #tpu.memory_space<semaphore_mem>>, %arg23: memref<!tpu.dma_semaphore, #tpu.memory_space<semaphore_mem>>, %arg24: memref<!tpu.dma_semaphore, #tpu.memory_space<semaphore_mem>>, %arg25: memref<!tpu.dma_semaphore, #tpu.memory_space<semaphore_mem>>, %arg26: memref<!tpu.dma_semaphore, #tpu.memory_space<semaphore_mem>>) attributes {dimension_semantics = [#tpu.dimension_semantics<core_parallel>, #tpu.dimension_semantics<subcore_parallel>], iteration_bounds = array<i64: 2, 16>, scalar_prefetch = 0 : i64, scratch_operands = 19 : i64, tpu.core_type = #tpu.core_type<sc_vector_subcore>, window_params = [{transform_indices = #map}, {transform_indices = #map}, {transform_indices = #map1}, {transform_indices = #map1}, {transform_indices = #map1}, {transform_indices = #map}]} {
    %scan3A = arith.constant 0 : i32
    %scan3A_0 = arith.constant 0 : i32
    %scan3A_1 = arith.constant 3 : i32
    %scan3A_2 = arith.addi %scan3A_0, %scan3A_1 : i32
    %scan3A_3 = arith.constant 1 : i32
    scf.for %scan3A_67 = %scan3A_0 to %scan3A_2 step %scan3A_3  : i32 {
      %mul3A_68 = arith.constant 384 : i32
      %mul3A_69 = arith.muli %arg1, %mul3A_68 : i32
      %mul3A_70 = arith.constant 128 : i32
      %mul3A_71 = arith.muli %scan3A_67, %mul3A_70 : i32
      %add3A_72 = arith.addi %mul3A_69, %mul3A_71 : i32
      "tpu.region"() ({
        %run_scoped3A = tpu.sem_alloc : memref<!tpu.dma_semaphore, #tpu.memory_space<semaphore_mem>>
        %dma_start3A_85 = tpu.memref_slice %arg4[%add3A_72] : memref<6144xi32, #tpu.memory_space<hbm>> -> memref<128xi32, #tpu.memory_space<hbm>>
        %dma_start3A_86 = tpu.memref_slice %arg4[%add3A_72] : memref<6144xi32, #tpu.memory_space<hbm>> -> memref<128xi32, #tpu.memory_space<hbm>>
        tpu.enqueue_dma source(%dma_start3A_86 : memref<128xi32, #tpu.memory_space<hbm>>) target(%arg8 : memref<128xi32, #tpu.memory_space<vmem>>) target_semaphore(%run_scoped3A : memref<!tpu.dma_semaphore, #tpu.memory_space<semaphore_mem>>)
        %dma_wait3A_87 = tpu.memref_slice %arg4[%add3A_72] : memref<6144xi32, #tpu.memory_space<hbm>> -> memref<128xi32, #tpu.memory_space<hbm>>
        %dma_wait3A_88 = tpu.memref_slice %arg4[%add3A_72] : memref<6144xi32, #tpu.memory_space<hbm>> -> memref<128xi32, #tpu.memory_space<hbm>>
        tpu.wait_dma2 semaphore(%run_scoped3A : memref<!tpu.dma_semaphore, #tpu.memory_space<semaphore_mem>>) src(%dma_wait3A_88 : memref<128xi32, #tpu.memory_space<hbm>>) dst(%arg8 : memref<128xi32, #tpu.memory_space<vmem>>)
        tpu.yield
      }) : () -> ()
      "tpu.region"() ({
        %run_scoped3A = tpu.sem_alloc : memref<!tpu.dma_semaphore, #tpu.memory_space<semaphore_mem>>
        %dma_start3A_85 = tpu.memref_slice %arg5[%add3A_72] : memref<6144xi32, #tpu.memory_space<hbm>> -> memref<128xi32, #tpu.memory_space<hbm>>
        %dma_start3A_86 = tpu.memref_slice %arg5[%add3A_72] : memref<6144xi32, #tpu.memory_space<hbm>> -> memref<128xi32, #tpu.memory_space<hbm>>
        tpu.enqueue_dma source(%dma_start3A_86 : memref<128xi32, #tpu.memory_space<hbm>>) target(%arg9 : memref<128xi32, #tpu.memory_space<vmem>>) target_semaphore(%run_scoped3A : memref<!tpu.dma_semaphore, #tpu.memory_space<semaphore_mem>>)
        %dma_wait3A_87 = tpu.memref_slice %arg5[%add3A_72] : memref<6144xi32, #tpu.memory_space<hbm>> -> memref<128xi32, #tpu.memory_space<hbm>>
        %dma_wait3A_88 = tpu.memref_slice %arg5[%add3A_72] : memref<6144xi32, #tpu.memory_space<hbm>> -> memref<128xi32, #tpu.memory_space<hbm>>
        tpu.wait_dma2 semaphore(%run_scoped3A : memref<!tpu.dma_semaphore, #tpu.memory_space<semaphore_mem>>) src(%dma_wait3A_88 : memref<128xi32, #tpu.memory_space<hbm>>) dst(%arg9 : memref<128xi32, #tpu.memory_space<vmem>>)
        tpu.yield
      }) : () -> ()
      %dma_start3A_73 = arith.constant 0 : i32
      %dma_start3A_74 = arith.constant 0 : i32
      %dma_start3A_75 = tpu.memref_slice %arg2[%dma_start3A_73, %dma_start3A_74] : memref<5984x128xf32, #tpu.memory_space<hbm>> -> memref<5984x128xf32, #tpu.memory_space<hbm>>
      tpu.enqueue_indirect_dma source(%dma_start3A_75 : memref<5984x128xf32, #tpu.memory_space<hbm>>) target(%arg10 : memref<128x128xf32, #tpu.memory_space<vmem>>) offsets(%arg8 : memref<128xi32, #tpu.memory_space<vmem>>) semaphore(%arg21 : memref<!tpu.dma_semaphore, #tpu.memory_space<semaphore_mem>>)
      %dma_wait3A_76 = arith.constant 0 : i32
      %dma_wait3A_77 = arith.constant 0 : i32
      %dma_wait3A_78 = tpu.memref_slice %arg2[%dma_wait3A_76, %dma_wait3A_77] : memref<5984x128xf32, #tpu.memory_space<hbm>> -> memref<5984x128xf32, #tpu.memory_space<hbm>>
      tpu.wait_indirect_dma semaphore(%arg21 : memref<!tpu.dma_semaphore, #tpu.memory_space<semaphore_mem>>) src(%dma_wait3A_78 : memref<5984x128xf32, #tpu.memory_space<hbm>>) dst(%arg10 : memref<128x128xf32, #tpu.memory_space<vmem>>)
      %dma_start3A_79 = arith.constant 0 : i32
      %dma_start3A_80 = arith.constant 0 : i32
      %dma_start3A_81 = tpu.memref_slice %arg3[%dma_start3A_79, %dma_start3A_80] : memref<16x128xf32, #tpu.memory_space<hbm>> -> memref<16x128xf32, #tpu.memory_space<hbm>>
      tpu.enqueue_indirect_dma source(%dma_start3A_81 : memref<16x128xf32, #tpu.memory_space<hbm>>) target(%arg10 : memref<128x128xf32, #tpu.memory_space<vmem>>) offsets(%arg9 : memref<128xi32, #tpu.memory_space<vmem>>) semaphore(%arg21 : memref<!tpu.dma_semaphore, #tpu.memory_space<semaphore_mem>>) {add = true}
      %dma_wait3A_82 = arith.constant 0 : i32
      %dma_wait3A_83 = arith.constant 0 : i32
      %dma_wait3A_84 = tpu.memref_slice %arg3[%dma_wait3A_82, %dma_wait3A_83] : memref<16x128xf32, #tpu.memory_space<hbm>> -> memref<16x128xf32, #tpu.memory_space<hbm>>
      tpu.wait_indirect_dma semaphore(%arg21 : memref<!tpu.dma_semaphore, #tpu.memory_space<semaphore_mem>>) src(%dma_wait3A_84 : memref<16x128xf32, #tpu.memory_space<hbm>>) dst(%arg10 : memref<128x128xf32, #tpu.memory_space<vmem>>)
      "tpu.region"() ({
        %run_scoped3A = tpu.sem_alloc : memref<!tpu.dma_semaphore, #tpu.memory_space<semaphore_mem>>
        %dma_start3A_85 = arith.constant 0 : i32
        %dma_start3A_86 = tpu.memref_slice %arg11[%add3A_72, %dma_start3A_85] : memref<6144x128xf32, #tpu.memory_space<vmem_shared>> -> memref<128x128xf32, #tpu.memory_space<vmem_shared>>
        %dma_start3A_87 = arith.constant 0 : i32
        %dma_start3A_88 = tpu.memref_slice %arg11[%add3A_72, %dma_start3A_87] : memref<6144x128xf32, #tpu.memory_space<vmem_shared>> -> memref<128x128xf32, #tpu.memory_space<vmem_shared>>
        tpu.enqueue_dma source(%arg10 : memref<128x128xf32, #tpu.memory_space<vmem>>) target(%dma_start3A_88 : memref<128x128xf32, #tpu.memory_space<vmem_shared>>) target_semaphore(%run_scoped3A : memref<!tpu.dma_semaphore, #tpu.memory_space<semaphore_mem>>)
        %dma_wait3A_89 = arith.constant 0 : i32
        %dma_wait3A_90 = tpu.memref_slice %arg11[%add3A_72, %dma_wait3A_89] : memref<6144x128xf32, #tpu.memory_space<vmem_shared>> -> memref<128x128xf32, #tpu.memory_space<vmem_shared>>
        %dma_wait3A_91 = arith.constant 0 : i32
        %dma_wait3A_92 = tpu.memref_slice %arg11[%add3A_72, %dma_wait3A_91] : memref<6144x128xf32, #tpu.memory_space<vmem_shared>> -> memref<128x128xf32, #tpu.memory_space<vmem_shared>>
        tpu.wait_dma2 semaphore(%run_scoped3A : memref<!tpu.dma_semaphore, #tpu.memory_space<semaphore_mem>>) src(%arg10 : memref<128x128xf32, #tpu.memory_space<vmem>>) dst(%dma_wait3A_92 : memref<128x128xf32, #tpu.memory_space<vmem_shared>>)
        tpu.yield
      }) : () -> ()
    }
    %scan3A_4 = arith.constant 3 : i32
    %barrier3A = arith.constant 0 : index
    tpu.barrier barrier_id(%barrier3A)
    %mul3A = arith.constant 2 : i32
    %mul3A_5 = arith.muli %arg1, %mul3A : i32
    %add3A = arith.addi %mul3A_5, %arg0 : i32
    %mul3A_6 = arith.constant 26544 : i32
    %mul3A_7 = arith.muli %add3A, %mul3A_6 : i32
    %add3A_8 = arith.constant 0 : i32
    %add3A_9 = arith.addi %mul3A_7, %add3A_8 : i32
    %dma_start3A = tpu.memref_slice %arg6[%add3A_9] : memref<849408xi32, #tpu.memory_space<hbm>> -> memref<112xi32, #tpu.memory_space<hbm>>
    %dma_start3A_10 = tpu.memref_slice %arg6[%add3A_9] : memref<849408xi32, #tpu.memory_space<hbm>> -> memref<112xi32, #tpu.memory_space<hbm>>
    tpu.enqueue_dma source(%dma_start3A_10 : memref<112xi32, #tpu.memory_space<hbm>>) target(%arg12 : memref<112xi32, #tpu.memory_space<vmem>>) target_semaphore(%arg18 : memref<!tpu.dma_semaphore, #tpu.memory_space<semaphore_mem>>)
    %mul3A_11 = arith.constant 26544 : i32
    %mul3A_12 = arith.muli %add3A, %mul3A_11 : i32
    %add3A_13 = arith.constant 112 : i32
    %add3A_14 = arith.addi %mul3A_12, %add3A_13 : i32
    %dma_start3A_15 = tpu.memref_slice %arg6[%add3A_14] : memref<849408xi32, #tpu.memory_space<hbm>> -> memref<112xi32, #tpu.memory_space<hbm>>
    %dma_start3A_16 = tpu.memref_slice %arg6[%add3A_14] : memref<849408xi32, #tpu.memory_space<hbm>> -> memref<112xi32, #tpu.memory_space<hbm>>
    tpu.enqueue_dma source(%dma_start3A_16 : memref<112xi32, #tpu.memory_space<hbm>>) target(%arg13 : memref<112xi32, #tpu.memory_space<vmem>>) target_semaphore(%arg19 : memref<!tpu.dma_semaphore, #tpu.memory_space<semaphore_mem>>)
    %mul3A_17 = arith.constant 26544 : i32
    %mul3A_18 = arith.muli %add3A, %mul3A_17 : i32
    %add3A_19 = arith.constant 224 : i32
    %add3A_20 = arith.addi %mul3A_18, %add3A_19 : i32
    %dma_start3A_21 = tpu.memref_slice %arg6[%add3A_20] : memref<849408xi32, #tpu.memory_space<hbm>> -> memref<112xi32, #tpu.memory_space<hbm>>
    %dma_start3A_22 = tpu.memref_slice %arg6[%add3A_20] : memref<849408xi32, #tpu.memory_space<hbm>> -> memref<112xi32, #tpu.memory_space<hbm>>
    tpu.enqueue_dma source(%dma_start3A_22 : memref<112xi32, #tpu.memory_space<hbm>>) target(%arg14 : memref<112xi32, #tpu.memory_space<vmem>>) target_semaphore(%arg20 : memref<!tpu.dma_semaphore, #tpu.memory_space<semaphore_mem>>)
    %mul3A_23 = arith.constant 26544 : i32
    %mul3A_24 = arith.muli %add3A, %mul3A_23 : i32
    %dma_wait3A = tpu.memref_slice %arg6[%mul3A_24] : memref<849408xi32, #tpu.memory_space<hbm>> -> memref<112xi32, #tpu.memory_space<hbm>>
    %dma_wait3A_25 = tpu.memref_slice %arg6[%mul3A_24] : memref<849408xi32, #tpu.memory_space<hbm>> -> memref<112xi32, #tpu.memory_space<hbm>>
    tpu.wait_dma2 semaphore(%arg18 : memref<!tpu.dma_semaphore, #tpu.memory_space<semaphore_mem>>) src(%dma_wait3A_25 : memref<112xi32, #tpu.memory_space<hbm>>) dst(%arg12 : memref<112xi32, #tpu.memory_space<vmem>>)
    %dma_start3A_26 = arith.constant 0 : i32
    %dma_start3A_27 = arith.constant 0 : i32
    %dma_start3A_28 = tpu.memref_slice %arg11[%dma_start3A_26, %dma_start3A_27] : memref<6144x128xf32, #tpu.memory_space<vmem_shared>> -> memref<6144x128xf32, #tpu.memory_space<vmem_shared>>
    tpu.enqueue_indirect_dma source(%dma_start3A_28 : memref<6144x128xf32, #tpu.memory_space<vmem_shared>>) target(%arg15 : memref<112x128xf32, #tpu.memory_space<vmem>>) offsets(%arg12 : memref<112xi32, #tpu.memory_space<vmem>>) semaphore(%arg21 : memref<!tpu.dma_semaphore, #tpu.memory_space<semaphore_mem>>)
    %mul3A_29 = arith.constant 26544 : i32
    %mul3A_30 = arith.muli %add3A, %mul3A_29 : i32
    %dma_wait3A_31 = tpu.memref_slice %arg6[%mul3A_30] : memref<849408xi32, #tpu.memory_space<hbm>> -> memref<112xi32, #tpu.memory_space<hbm>>
    %dma_wait3A_32 = tpu.memref_slice %arg6[%mul3A_30] : memref<849408xi32, #tpu.memory_space<hbm>> -> memref<112xi32, #tpu.memory_space<hbm>>
    tpu.wait_dma2 semaphore(%arg19 : memref<!tpu.dma_semaphore, #tpu.memory_space<semaphore_mem>>) src(%dma_wait3A_32 : memref<112xi32, #tpu.memory_space<hbm>>) dst(%arg13 : memref<112xi32, #tpu.memory_space<vmem>>)
    %dma_start3A_33 = arith.constant 0 : i32
    %dma_start3A_34 = arith.constant 0 : i32
    %dma_start3A_35 = tpu.memref_slice %arg11[%dma_start3A_33, %dma_start3A_34] : memref<6144x128xf32, #tpu.memory_space<vmem_shared>> -> memref<6144x128xf32, #tpu.memory_space<vmem_shared>>
    tpu.enqueue_indirect_dma source(%dma_start3A_35 : memref<6144x128xf32, #tpu.memory_space<vmem_shared>>) target(%arg16 : memref<112x128xf32, #tpu.memory_space<vmem>>) offsets(%arg13 : memref<112xi32, #tpu.memory_space<vmem>>) semaphore(%arg22 : memref<!tpu.dma_semaphore, #tpu.memory_space<semaphore_mem>>)
    %mul3A_36 = arith.constant 26544 : i32
    %mul3A_37 = arith.muli %add3A, %mul3A_36 : i32
    %dma_wait3A_38 = tpu.memref_slice %arg6[%mul3A_37] : memref<849408xi32, #tpu.memory_space<hbm>> -> memref<112xi32, #tpu.memory_space<hbm>>
    %dma_wait3A_39 = tpu.memref_slice %arg6[%mul3A_37] : memref<849408xi32, #tpu.memory_space<hbm>> -> memref<112xi32, #tpu.memory_space<hbm>>
    tpu.wait_dma2 semaphore(%arg20 : memref<!tpu.dma_semaphore, #tpu.memory_space<semaphore_mem>>) src(%dma_wait3A_39 : memref<112xi32, #tpu.memory_space<hbm>>) dst(%arg14 : memref<112xi32, #tpu.memory_space<vmem>>)
    %dma_start3A_40 = arith.constant 0 : i32
    %dma_start3A_41 = arith.constant 0 : i32
    %dma_start3A_42 = tpu.memref_slice %arg11[%dma_start3A_40, %dma_start3A_41] : memref<6144x128xf32, #tpu.memory_space<vmem_shared>> -> memref<6144x128xf32, #tpu.memory_space<vmem_shared>>
    tpu.enqueue_indirect_dma source(%dma_start3A_42 : memref<6144x128xf32, #tpu.memory_space<vmem_shared>>) target(%arg17 : memref<112x128xf32, #tpu.memory_space<vmem>>) offsets(%arg14 : memref<112xi32, #tpu.memory_space<vmem>>) semaphore(%arg23 : memref<!tpu.dma_semaphore, #tpu.memory_space<semaphore_mem>>)
    %scan3A_43 = arith.constant 0 : i32
    %scan3A_44 = arith.constant 0 : i32
    %scan3A_45 = arith.constant 79 : i32
    %scan3A_46 = arith.addi %scan3A_44, %scan3A_45 : i32
    %scan3A_47 = arith.constant 1 : i32
    scf.for %scan3A_67 = %scan3A_44 to %scan3A_46 step %scan3A_47  : i32 {
      %mul3A_68 = arith.constant 3 : i32
      %mul3A_69 = arith.muli %scan3A_67, %mul3A_68 : i32
      %add3A_70 = arith.constant 0 : i32
      %add3A_71 = arith.addi %mul3A_69, %add3A_70 : i32
      %dma_wait3A_72 = arith.constant 0 : i32
      %dma_wait3A_73 = arith.constant 0 : i32
      %dma_wait3A_74 = tpu.memref_slice %arg11[%dma_wait3A_72, %dma_wait3A_73] : memref<6144x128xf32, #tpu.memory_space<vmem_shared>> -> memref<6144x128xf32, #tpu.memory_space<vmem_shared>>
      tpu.wait_indirect_dma semaphore(%arg21 : memref<!tpu.dma_semaphore, #tpu.memory_space<semaphore_mem>>) src(%dma_wait3A_74 : memref<6144x128xf32, #tpu.memory_space<vmem_shared>>) dst(%arg15 : memref<112x128xf32, #tpu.memory_space<vmem>>)
      %mul3A_75 = arith.constant 26544 : i32
      %mul3A_76 = arith.muli %add3A, %mul3A_75 : i32
      %mul3A_77 = arith.constant 112 : i32
      %mul3A_78 = arith.muli %add3A_71, %mul3A_77 : i32
      %add3A_79 = arith.addi %mul3A_76, %mul3A_78 : i32
      %dma_start3A_80 = arith.constant 0 : i32
      %dma_start3A_81 = tpu.memref_slice %arg7[%add3A_79, %dma_start3A_80] : memref<849408x128xf32, #tpu.memory_space<hbm>> -> memref<112x128xf32, #tpu.memory_space<hbm>>
      %dma_start3A_82 = arith.constant 0 : i32
      %dma_start3A_83 = tpu.memref_slice %arg7[%add3A_79, %dma_start3A_82] : memref<849408x128xf32, #tpu.memory_space<hbm>> -> memref<112x128xf32, #tpu.memory_space<hbm>>
      tpu.enqueue_dma source(%arg15 : memref<112x128xf32, #tpu.memory_space<vmem>>) target(%dma_start3A_83 : memref<112x128xf32, #tpu.memory_space<hbm>>) target_semaphore(%arg24 : memref<!tpu.dma_semaphore, #tpu.memory_space<semaphore_mem>>)
      %lt3A = arith.constant 78 : i32
      %lt3A_84 = arith.cmpi slt, %scan3A_67, %lt3A : i32
      %convert_element_type3A = arith.extui %lt3A_84 : i1 to i32
      %cond3A = arith.constant 0 : i32
      %cond3A_85 = arith.cmpi ne, %convert_element_type3A, %cond3A : i32
      scf.if %cond3A_85 {
        %add3A_128 = arith.constant 3 : i32
        %add3A_129 = arith.addi %add3A_71, %add3A_128 : i32
        %mul3A_130 = arith.constant 26544 : i32
        %mul3A_131 = arith.muli %add3A, %mul3A_130 : i32
        %mul3A_132 = arith.constant 112 : i32
        %mul3A_133 = arith.muli %add3A_129, %mul3A_132 : i32
        %add3A_134 = arith.addi %mul3A_131, %mul3A_133 : i32
        %dma_start3A_135 = tpu.memref_slice %arg6[%add3A_134] : memref<849408xi32, #tpu.memory_space<hbm>> -> memref<112xi32, #tpu.memory_space<hbm>>
        %dma_start3A_136 = tpu.memref_slice %arg6[%add3A_134] : memref<849408xi32, #tpu.memory_space<hbm>> -> memref<112xi32, #tpu.memory_space<hbm>>
        tpu.enqueue_dma source(%dma_start3A_136 : memref<112xi32, #tpu.memory_space<hbm>>) target(%arg12 : memref<112xi32, #tpu.memory_space<vmem>>) target_semaphore(%arg18 : memref<!tpu.dma_semaphore, #tpu.memory_space<semaphore_mem>>)
        %mul3A_137 = arith.constant 26544 : i32
        %mul3A_138 = arith.muli %add3A, %mul3A_137 : i32
        %dma_wait3A_139 = arith.constant 0 : i32
        %dma_wait3A_140 = tpu.memref_slice %arg7[%mul3A_138, %dma_wait3A_139] : memref<849408x128xf32, #tpu.memory_space<hbm>> -> memref<112x128xf32, #tpu.memory_space<hbm>>
        %dma_wait3A_141 = arith.constant 0 : i32
        %dma_wait3A_142 = tpu.memref_slice %arg7[%mul3A_138, %dma_wait3A_141] : memref<849408x128xf32, #tpu.memory_space<hbm>> -> memref<112x128xf32, #tpu.memory_space<hbm>>
        tpu.wait_dma2 semaphore(%arg24 : memref<!tpu.dma_semaphore, #tpu.memory_space<semaphore_mem>>) src(%arg15 : memref<112x128xf32, #tpu.memory_space<vmem>>) dst(%dma_wait3A_142 : memref<112x128xf32, #tpu.memory_space<hbm>>)
        %mul3A_143 = arith.constant 26544 : i32
        %mul3A_144 = arith.muli %add3A, %mul3A_143 : i32
        %dma_wait3A_145 = tpu.memref_slice %arg6[%mul3A_144] : memref<849408xi32, #tpu.memory_space<hbm>> -> memref<112xi32, #tpu.memory_space<hbm>>
        %dma_wait3A_146 = tpu.memref_slice %arg6[%mul3A_144] : memref<849408xi32, #tpu.memory_space<hbm>> -> memref<112xi32, #tpu.memory_space<hbm>>
        tpu.wait_dma2 semaphore(%arg18 : memref<!tpu.dma_semaphore, #tpu.memory_space<semaphore_mem>>) src(%dma_wait3A_146 : memref<112xi32, #tpu.memory_space<hbm>>) dst(%arg12 : memref<112xi32, #tpu.memory_space<vmem>>)
        %dma_start3A_147 = arith.constant 0 : i32
        %dma_start3A_148 = arith.constant 0 : i32
        %dma_start3A_149 = tpu.memref_slice %arg11[%dma_start3A_147, %dma_start3A_148] : memref<6144x128xf32, #tpu.memory_space<vmem_shared>> -> memref<6144x128xf32, #tpu.memory_space<vmem_shared>>
        tpu.enqueue_indirect_dma source(%dma_start3A_149 : memref<6144x128xf32, #tpu.memory_space<vmem_shared>>) target(%arg15 : memref<112x128xf32, #tpu.memory_space<vmem>>) offsets(%arg12 : memref<112xi32, #tpu.memory_space<vmem>>) semaphore(%arg21 : memref<!tpu.dma_semaphore, #tpu.memory_space<semaphore_mem>>)
      } else {
      }
      %mul3A_86 = arith.constant 3 : i32
      %mul3A_87 = arith.muli %scan3A_67, %mul3A_86 : i32
      %add3A_88 = arith.constant 1 : i32
      %add3A_89 = arith.addi %mul3A_87, %add3A_88 : i32
      %dma_wait3A_90 = arith.constant 0 : i32
      %dma_wait3A_91 = arith.constant 0 : i32
      %dma_wait3A_92 = tpu.memref_slice %arg11[%dma_wait3A_90, %dma_wait3A_91] : memref<6144x128xf32, #tpu.memory_space<vmem_shared>> -> memref<6144x128xf32, #tpu.memory_space<vmem_shared>>
      tpu.wait_indirect_dma semaphore(%arg22 : memref<!tpu.dma_semaphore, #tpu.memory_space<semaphore_mem>>) src(%dma_wait3A_92 : memref<6144x128xf32, #tpu.memory_space<vmem_shared>>) dst(%arg16 : memref<112x128xf32, #tpu.memory_space<vmem>>)
      %mul3A_93 = arith.constant 26544 : i32
      %mul3A_94 = arith.muli %add3A, %mul3A_93 : i32
      %mul3A_95 = arith.constant 112 : i32
      %mul3A_96 = arith.muli %add3A_89, %mul3A_95 : i32
      %add3A_97 = arith.addi %mul3A_94, %mul3A_96 : i32
      %dma_start3A_98 = arith.constant 0 : i32
      %dma_start3A_99 = tpu.memref_slice %arg7[%add3A_97, %dma_start3A_98] : memref<849408x128xf32, #tpu.memory_space<hbm>> -> memref<112x128xf32, #tpu.memory_space<hbm>>
      %dma_start3A_100 = arith.constant 0 : i32
      %dma_start3A_101 = tpu.memref_slice %arg7[%add3A_97, %dma_start3A_100] : memref<849408x128xf32, #tpu.memory_space<hbm>> -> memref<112x128xf32, #tpu.memory_space<hbm>>
      tpu.enqueue_dma source(%arg16 : memref<112x128xf32, #tpu.memory_space<vmem>>) target(%dma_start3A_101 : memref<112x128xf32, #tpu.memory_space<hbm>>) target_semaphore(%arg25 : memref<!tpu.dma_semaphore, #tpu.memory_space<semaphore_mem>>)
      %lt3A_102 = arith.constant 78 : i32
      %lt3A_103 = arith.cmpi slt, %scan3A_67, %lt3A_102 : i32
      %convert_element_type3A_104 = arith.extui %lt3A_103 : i1 to i32
      %cond3A_105 = arith.constant 0 : i32
      %cond3A_106 = arith.cmpi ne, %convert_element_type3A_104, %cond3A_105 : i32
      scf.if %cond3A_106 {
        %add3A_128 = arith.constant 3 : i32
        %add3A_129 = arith.addi %add3A_89, %add3A_128 : i32
        %mul3A_130 = arith.constant 26544 : i32
        %mul3A_131 = arith.muli %add3A, %mul3A_130 : i32
        %mul3A_132 = arith.constant 112 : i32
        %mul3A_133 = arith.muli %add3A_129, %mul3A_132 : i32
        %add3A_134 = arith.addi %mul3A_131, %mul3A_133 : i32
        %dma_start3A_135 = tpu.memref_slice %arg6[%add3A_134] : memref<849408xi32, #tpu.memory_space<hbm>> -> memref<112xi32, #tpu.memory_space<hbm>>
        %dma_start3A_136 = tpu.memref_slice %arg6[%add3A_134] : memref<849408xi32, #tpu.memory_space<hbm>> -> memref<112xi32, #tpu.memory_space<hbm>>
        tpu.enqueue_dma source(%dma_start3A_136 : memref<112xi32, #tpu.memory_space<hbm>>) target(%arg13 : memref<112xi32, #tpu.memory_space<vmem>>) target_semaphore(%arg19 : memref<!tpu.dma_semaphore, #tpu.memory_space<semaphore_mem>>)
        %mul3A_137 = arith.constant 26544 : i32
        %mul3A_138 = arith.muli %add3A, %mul3A_137 : i32
        %dma_wait3A_139 = arith.constant 0 : i32
        %dma_wait3A_140 = tpu.memref_slice %arg7[%mul3A_138, %dma_wait3A_139] : memref<849408x128xf32, #tpu.memory_space<hbm>> -> memref<112x128xf32, #tpu.memory_space<hbm>>
        %dma_wait3A_141 = arith.constant 0 : i32
        %dma_wait3A_142 = tpu.memref_slice %arg7[%mul3A_138, %dma_wait3A_141] : memref<849408x128xf32, #tpu.memory_space<hbm>> -> memref<112x128xf32, #tpu.memory_space<hbm>>
        tpu.wait_dma2 semaphore(%arg25 : memref<!tpu.dma_semaphore, #tpu.memory_space<semaphore_mem>>) src(%arg16 : memref<112x128xf32, #tpu.memory_space<vmem>>) dst(%dma_wait3A_142 : memref<112x128xf32, #tpu.memory_space<hbm>>)
        %mul3A_143 = arith.constant 26544 : i32
        %mul3A_144 = arith.muli %add3A, %mul3A_143 : i32
        %dma_wait3A_145 = tpu.memref_slice %arg6[%mul3A_144] : memref<849408xi32, #tpu.memory_space<hbm>> -> memref<112xi32, #tpu.memory_space<hbm>>
        %dma_wait3A_146 = tpu.memref_slice %arg6[%mul3A_144] : memref<849408xi32, #tpu.memory_space<hbm>> -> memref<112xi32, #tpu.memory_space<hbm>>
        tpu.wait_dma2 semaphore(%arg19 : memref<!tpu.dma_semaphore, #tpu.memory_space<semaphore_mem>>) src(%dma_wait3A_146 : memref<112xi32, #tpu.memory_space<hbm>>) dst(%arg13 : memref<112xi32, #tpu.memory_space<vmem>>)
        %dma_start3A_147 = arith.constant 0 : i32
        %dma_start3A_148 = arith.constant 0 : i32
        %dma_start3A_149 = tpu.memref_slice %arg11[%dma_start3A_147, %dma_start3A_148] : memref<6144x128xf32, #tpu.memory_space<vmem_shared>> -> memref<6144x128xf32, #tpu.memory_space<vmem_shared>>
        tpu.enqueue_indirect_dma source(%dma_start3A_149 : memref<6144x128xf32, #tpu.memory_space<vmem_shared>>) target(%arg16 : memref<112x128xf32, #tpu.memory_space<vmem>>) offsets(%arg13 : memref<112xi32, #tpu.memory_space<vmem>>) semaphore(%arg22 : memref<!tpu.dma_semaphore, #tpu.memory_space<semaphore_mem>>)
      } else {
      }
      %mul3A_107 = arith.constant 3 : i32
      %mul3A_108 = arith.muli %scan3A_67, %mul3A_107 : i32
      %add3A_109 = arith.constant 2 : i32
      %add3A_110 = arith.addi %mul3A_108, %add3A_109 : i32
      %dma_wait3A_111 = arith.constant 0 : i32
      %dma_wait3A_112 = arith.constant 0 : i32
      %dma_wait3A_113 = tpu.memref_slice %arg11[%dma_wait3A_111, %dma_wait3A_112] : memref<6144x128xf32, #tpu.memory_space<vmem_shared>> -> memref<6144x128xf32, #tpu.memory_space<vmem_shared>>
      tpu.wait_indirect_dma semaphore(%arg23 : memref<!tpu.dma_semaphore, #tpu.memory_space<semaphore_mem>>) src(%dma_wait3A_113 : memref<6144x128xf32, #tpu.memory_space<vmem_shared>>) dst(%arg17 : memref<112x128xf32, #tpu.memory_space<vmem>>)
      %mul3A_114 = arith.constant 26544 : i32
      %mul3A_115 = arith.muli %add3A, %mul3A_114 : i32
      %mul3A_116 = arith.constant 112 : i32
      %mul3A_117 = arith.muli %add3A_110, %mul3A_116 : i32
      %add3A_118 = arith.addi %mul3A_115, %mul3A_117 : i32
      %dma_start3A_119 = arith.constant 0 : i32
      %dma_start3A_120 = tpu.memref_slice %arg7[%add3A_118, %dma_start3A_119] : memref<849408x128xf32, #tpu.memory_space<hbm>> -> memref<112x128xf32, #tpu.memory_space<hbm>>
      %dma_start3A_121 = arith.constant 0 : i32
      %dma_start3A_122 = tpu.memref_slice %arg7[%add3A_118, %dma_start3A_121] : memref<849408x128xf32, #tpu.memory_space<hbm>> -> memref<112x128xf32, #tpu.memory_space<hbm>>
      tpu.enqueue_dma source(%arg17 : memref<112x128xf32, #tpu.memory_space<vmem>>) target(%dma_start3A_122 : memref<112x128xf32, #tpu.memory_space<hbm>>) target_semaphore(%arg26 : memref<!tpu.dma_semaphore, #tpu.memory_space<semaphore_mem>>)
      %lt3A_123 = arith.constant 78 : i32
      %lt3A_124 = arith.cmpi slt, %scan3A_67, %lt3A_123 : i32
      %convert_element_type3A_125 = arith.extui %lt3A_124 : i1 to i32
      %cond3A_126 = arith.constant 0 : i32
      %cond3A_127 = arith.cmpi ne, %convert_element_type3A_125, %cond3A_126 : i32
      scf.if %cond3A_127 {
        %add3A_128 = arith.constant 3 : i32
        %add3A_129 = arith.addi %add3A_110, %add3A_128 : i32
        %mul3A_130 = arith.constant 26544 : i32
        %mul3A_131 = arith.muli %add3A, %mul3A_130 : i32
        %mul3A_132 = arith.constant 112 : i32
        %mul3A_133 = arith.muli %add3A_129, %mul3A_132 : i32
        %add3A_134 = arith.addi %mul3A_131, %mul3A_133 : i32
        %dma_start3A_135 = tpu.memref_slice %arg6[%add3A_134] : memref<849408xi32, #tpu.memory_space<hbm>> -> memref<112xi32, #tpu.memory_space<hbm>>
        %dma_start3A_136 = tpu.memref_slice %arg6[%add3A_134] : memref<849408xi32, #tpu.memory_space<hbm>> -> memref<112xi32, #tpu.memory_space<hbm>>
        tpu.enqueue_dma source(%dma_start3A_136 : memref<112xi32, #tpu.memory_space<hbm>>) target(%arg14 : memref<112xi32, #tpu.memory_space<vmem>>) target_semaphore(%arg20 : memref<!tpu.dma_semaphore, #tpu.memory_space<semaphore_mem>>)
        %mul3A_137 = arith.constant 26544 : i32
        %mul3A_138 = arith.muli %add3A, %mul3A_137 : i32
        %dma_wait3A_139 = arith.constant 0 : i32
        %dma_wait3A_140 = tpu.memref_slice %arg7[%mul3A_138, %dma_wait3A_139] : memref<849408x128xf32, #tpu.memory_space<hbm>> -> memref<112x128xf32, #tpu.memory_space<hbm>>
        %dma_wait3A_141 = arith.constant 0 : i32
        %dma_wait3A_142 = tpu.memref_slice %arg7[%mul3A_138, %dma_wait3A_141] : memref<849408x128xf32, #tpu.memory_space<hbm>> -> memref<112x128xf32, #tpu.memory_space<hbm>>
        tpu.wait_dma2 semaphore(%arg26 : memref<!tpu.dma_semaphore, #tpu.memory_space<semaphore_mem>>) src(%arg17 : memref<112x128xf32, #tpu.memory_space<vmem>>) dst(%dma_wait3A_142 : memref<112x128xf32, #tpu.memory_space<hbm>>)
        %mul3A_143 = arith.constant 26544 : i32
        %mul3A_144 = arith.muli %add3A, %mul3A_143 : i32
        %dma_wait3A_145 = tpu.memref_slice %arg6[%mul3A_144] : memref<849408xi32, #tpu.memory_space<hbm>> -> memref<112xi32, #tpu.memory_space<hbm>>
        %dma_wait3A_146 = tpu.memref_slice %arg6[%mul3A_144] : memref<849408xi32, #tpu.memory_space<hbm>> -> memref<112xi32, #tpu.memory_space<hbm>>
        tpu.wait_dma2 semaphore(%arg20 : memref<!tpu.dma_semaphore, #tpu.memory_space<semaphore_mem>>) src(%dma_wait3A_146 : memref<112xi32, #tpu.memory_space<hbm>>) dst(%arg14 : memref<112xi32, #tpu.memory_space<vmem>>)
        %dma_start3A_147 = arith.constant 0 : i32
        %dma_start3A_148 = arith.constant 0 : i32
        %dma_start3A_149 = tpu.memref_slice %arg11[%dma_start3A_147, %dma_start3A_148] : memref<6144x128xf32, #tpu.memory_space<vmem_shared>> -> memref<6144x128xf32, #tpu.memory_space<vmem_shared>>
        tpu.enqueue_indirect_dma source(%dma_start3A_149 : memref<6144x128xf32, #tpu.memory_space<vmem_shared>>) target(%arg17 : memref<112x128xf32, #tpu.memory_space<vmem>>) offsets(%arg14 : memref<112xi32, #tpu.memory_space<vmem>>) semaphore(%arg23 : memref<!tpu.dma_semaphore, #tpu.memory_space<semaphore_mem>>)
      } else {
      }
    }
    %scan3A_48 = arith.constant 79 : i32
    %mul3A_49 = arith.constant 26544 : i32
    %mul3A_50 = arith.muli %add3A, %mul3A_49 : i32
    %dma_wait3A_51 = arith.constant 0 : i32
    %dma_wait3A_52 = tpu.memref_slice %arg7[%mul3A_50, %dma_wait3A_51] : memref<849408x128xf32, #tpu.memory_space<hbm>> -> memref<112x128xf32, #tpu.memory_space<hbm>>
    %dma_wait3A_53 = arith.constant 0 : i32
    %dma_wait3A_54 = tpu.memref_slice %arg7[%mul3A_50, %dma_wait3A_53] : memref<849408x128xf32, #tpu.memory_space<hbm>> -> memref<112x128xf32, #tpu.memory_space<hbm>>
    tpu.wait_dma2 semaphore(%arg24 : memref<!tpu.dma_semaphore, #tpu.memory_space<semaphore_mem>>) src(%arg15 : memref<112x128xf32, #tpu.memory_space<vmem>>) dst(%dma_wait3A_54 : memref<112x128xf32, #tpu.memory_space<hbm>>)
    %mul3A_55 = arith.constant 26544 : i32
    %mul3A_56 = arith.muli %add3A, %mul3A_55 : i32
    %dma_wait3A_57 = arith.constant 0 : i32
    %dma_wait3A_58 = tpu.memref_slice %arg7[%mul3A_56, %dma_wait3A_57] : memref<849408x128xf32, #tpu.memory_space<hbm>> -> memref<112x128xf32, #tpu.memory_space<hbm>>
    %dma_wait3A_59 = arith.constant 0 : i32
    %dma_wait3A_60 = tpu.memref_slice %arg7[%mul3A_56, %dma_wait3A_59] : memref<849408x128xf32, #tpu.memory_space<hbm>> -> memref<112x128xf32, #tpu.memory_space<hbm>>
    tpu.wait_dma2 semaphore(%arg25 : memref<!tpu.dma_semaphore, #tpu.memory_space<semaphore_mem>>) src(%arg16 : memref<112x128xf32, #tpu.memory_space<vmem>>) dst(%dma_wait3A_60 : memref<112x128xf32, #tpu.memory_space<hbm>>)
    %mul3A_61 = arith.constant 26544 : i32
    %mul3A_62 = arith.muli %add3A, %mul3A_61 : i32
    %dma_wait3A_63 = arith.constant 0 : i32
    %dma_wait3A_64 = tpu.memref_slice %arg7[%mul3A_62, %dma_wait3A_63] : memref<849408x128xf32, #tpu.memory_space<hbm>> -> memref<112x128xf32, #tpu.memory_space<hbm>>
    %dma_wait3A_65 = arith.constant 0 : i32
    %dma_wait3A_66 = tpu.memref_slice %arg7[%mul3A_62, %dma_wait3A_65] : memref<849408x128xf32, #tpu.memory_space<hbm>> -> memref<112x128xf32, #tpu.memory_space<hbm>>
    tpu.wait_dma2 semaphore(%arg26 : memref<!tpu.dma_semaphore, #tpu.memory_space<semaphore_mem>>) src(%arg17 : memref<112x128xf32, #tpu.memory_space<vmem>>) dst(%dma_wait3A_66 : memref<112x128xf32, #tpu.memory_space<hbm>>)
    return
  }
}

module attributes {stable_mosaic.version = 14 : i64} {
  func.func @_renorm_body(%arg0: memref<5984x128xf32, #tpu.memory_space<vmem>>, %arg1: memref<16x128xf32, #tpu.memory_space<vmem>>, %arg2: memref<5984x128xf32, #tpu.memory_space<vmem>>, %arg3: memref<16x128xf32, #tpu.memory_space<vmem>>) attributes {dimension_semantics = [], scalar_prefetch = 0 : i64, scratch_operands = 0 : i64, tpu.core_type = #tpu.core_type<tc>} {
    %get3A = arith.constant 0 : index
    %get3A_0 = arith.constant 0 : index
    %get3A_1 = vector.load %arg0[%get3A, %get3A_0] : memref<5984x128xf32, #tpu.memory_space<vmem>>, vector<5984x128xf32>
    %mul3A = arith.mulf %get3A_1, %get3A_1 : vector<5984x128xf32>
    %reduce_sum3A = arith.constant dense<0.000000e+00> : vector<5984xf32>
    %reduce_sum3A_2 = vector.multi_reduction <add>, %mul3A, %reduce_sum3A [1] : vector<5984x128xf32> to vector<5984xf32>
    %broadcast_in_dim3A = vector.shape_cast %reduce_sum3A_2 : vector<5984xf32> to vector<5984x1xf32>
    %sqrt3A = math.sqrt %broadcast_in_dim3A : vector<5984x1xf32>
    %max3A = arith.constant 1.000000e-07 : f32
    %max3A_3 = vector.broadcast %max3A : f32 to vector<5984x1xf32>
    %max3A_4 = arith.maximumf %sqrt3A, %max3A_3 : vector<5984x1xf32>
    %div3A = arith.constant 1.000000e+00 : f32
    %div3A_5 = vector.broadcast %div3A : f32 to vector<5984x1xf32>
    %div3A_6 = arith.divf %div3A_5, %max3A_4 : vector<5984x1xf32>
    %min3A = arith.constant 1.000000e+00 : f32
    %min3A_7 = vector.broadcast %min3A : f32 to vector<5984x1xf32>
    %min3A_8 = arith.minimumf %min3A_7, %div3A_6 : vector<5984x1xf32>
    %mul3A_9 = vector.broadcast %min3A_8 : vector<5984x1xf32> to vector<5984x128xf32>
    %mul3A_10 = arith.mulf %get3A_1, %mul3A_9 : vector<5984x128xf32>
    %swap3A = arith.constant 0 : index
    %swap3A_11 = arith.constant 0 : index
    %swap3A_12 = vector.load %arg2[%swap3A, %swap3A_11] : memref<5984x128xf32, #tpu.memory_space<vmem>>, vector<5984x128xf32>
    tpu.vector_store %arg2[%swap3A, %swap3A_11], %mul3A_10 {strides = array<i32>} : memref<5984x128xf32, #tpu.memory_space<vmem>>, vector<5984x128xf32>,
    %get3A_13 = arith.constant 0 : index
    %get3A_14 = arith.constant 0 : index
    %get3A_15 = vector.load %arg1[%get3A_13, %get3A_14] : memref<16x128xf32, #tpu.memory_space<vmem>>, vector<16x128xf32>
    %mul3A_16 = arith.mulf %get3A_15, %get3A_15 : vector<16x128xf32>
    %reduce_sum3A_17 = arith.constant dense<0.000000e+00> : vector<16xf32>
    %reduce_sum3A_18 = vector.multi_reduction <add>, %mul3A_16, %reduce_sum3A_17 [1] : vector<16x128xf32> to vector<16xf32>
    %broadcast_in_dim3A_19 = vector.shape_cast %reduce_sum3A_18 : vector<16xf32> to vector<16x1xf32>
    %sqrt3A_20 = math.sqrt %broadcast_in_dim3A_19 : vector<16x1xf32>
    %max3A_21 = arith.constant 1.000000e-07 : f32
    %max3A_22 = vector.broadcast %max3A_21 : f32 to vector<16x1xf32>
    %max3A_23 = arith.maximumf %sqrt3A_20, %max3A_22 : vector<16x1xf32>
    %div3A_24 = arith.constant 1.000000e+00 : f32
    %div3A_25 = vector.broadcast %div3A_24 : f32 to vector<16x1xf32>
    %div3A_26 = arith.divf %div3A_25, %max3A_23 : vector<16x1xf32>
    %min3A_27 = arith.constant 1.000000e+00 : f32
    %min3A_28 = vector.broadcast %min3A_27 : f32 to vector<16x1xf32>
    %min3A_29 = arith.minimumf %min3A_28, %div3A_26 : vector<16x1xf32>
    %mul3A_30 = vector.broadcast %min3A_29 : vector<16x1xf32> to vector<16x128xf32>
    %mul3A_31 = arith.mulf %get3A_15, %mul3A_30 : vector<16x128xf32>
    %slice3A = vector.extract_strided_slice %mul3A_31 {offsets = [0, 26], sizes = [16, 102], strides = [1, 1]} : vector<16x128xf32> to vector<16x102xf32>
    %slice3A_32 = vector.extract_strided_slice %mul3A_31 {offsets = [0, 0], sizes = [16, 26], strides = [1, 1]} : vector<16x128xf32> to vector<16x26xf32>
    %concatenate3A = tpu.concatenate %slice3A, %slice3A_32 in 1 : vector<16x102xf32>, vector<16x26xf32> -> vector<16x128xf32>
    %swap3A_33 = arith.constant 0 : index
    %swap3A_34 = arith.constant 0 : index
    %swap3A_35 = vector.load %arg3[%swap3A_33, %swap3A_34] : memref<16x128xf32, #tpu.memory_space<vmem>>, vector<16x128xf32>
    tpu.vector_store %arg3[%swap3A_33, %swap3A_34], %concatenate3A {strides = array<i32>} : memref<16x128xf32, #tpu.memory_space<vmem>>, vector<16x128xf32>,
    return
  }
}

</mosaic_0001>

<sc_bundles>
// kernel: kernel.4.cloned.1.call-start
scs
__scs_entry_jumppad:
0x0: {  	(pc) =	sbr.rel $0x88, $3  }
0x1: {  	(tag) =	ssettag $0x0;
	lr =	simm.s32 $0x1  }
0x2: {  	[smem:$0x3F9D] =	sst lr;
	_ =	strace $0xD0000000  }
0x3: {  	_ = 	snop  }
0x4: {  	_ = 	snop  }
0x5: {  	_ = 	snop  }
0x6: {  	_ = 	snop  }
0x7: {  	_ = 	snop  }
__scs_overlays_trampoline_lowered:
0x8: {  	[smem:$0x3FAC] =	sst s0  }
0x9: {  	[smem:$0x3FAD] =	sst s1  }
0xa: {  	[smem:$0x3FAE] =	sst s2  }
0xb: {  	[smem:$0x3FAF] =	sst s3  }
0xc: {  	[smem:$0x3FB0] =	sst s4  }
0xd: {  	[smem:$0x3FB1] =	sst s5  }
0xe: {  	[smem:$0x3FB2] =	sst s6  }
0xf: {  	[smem:$0x3FB3] =	sst s7  }
0x10: {  	[smem:$0x3FB4] =	sst s8  }
0x11: {  	[smem:$0x3FB5] =	sst s9;
	s0 =	simm.s32 @!p0 $0x0  }
0x12: {  	s1 =	sld [smem:$0x3F9B];
	s0 =	simm.s32 @p0 $0x1  }
0x13: {  	[smem:$0x3FB6] =	sst s0;
	s0 =	simm.s32 @!p1 $0x0  }
0x14: {  	s2 =	sld [smem:$0x3F9A];
	s0 =	simm.s32 @p1 $0x1  }
0x15: {  	[smem:$0x3FB7] =	sst s0;
	s0 =	simm.s32 @!p2 $0x0  }
0x16: {  	s3 =	sld [smem:$0x3FDB];
	s0 =	simm.s32 @p2 $0x1  }
0x17: {  	s4 =	simm.s32 $0x1BF5;
	[smem:$0x3FB9] =	sst s0  }
0x18: {  	s0 =	sld [smem:$0x3F9C];
	_ =	swait.ge [sflag:s4], $0x0  }
0x19: {  	s7 =	sld [smem:$0x3F9D]  }
0x1a: {  	s8 =	sadd.s32 $0xFFFFE003, lr  }
0x1b: {  	s9 =	sadd.s32 $0xFFFFFEF7, lr;
	s5 =	simm.s32 $0xFFFFFFFF;
	p2 =	slt.u32 s8, $0xFFFFF086  }
0x1c: {  	p1 =	slt.u32 s9, $0xF7A;
	s5 =	simm.s32 @!p2 $0x0  }
0x1d: {  	s5 =	simm.s32 @p1 $0x1;
	p0 =	seq.s32 s7, s2  }
0x1e: {  	s7 =	smul.u32 @!p0 $0xF7A, s2;
	p2 =	seq.s32 @!p0 s5, $0x0  }
0x1f: {  	s9 =	smul.u32 $0xF7A, s1;
	s8 =	simm.s32 @!p0 $0x1BF5;
	p2 =	por !p2, p0  }
0x20: {  	[sflag:s8] =	ssyncset.s32 @!p0 $0xFFFFF086;
	s6 =	sadd.s32 @!p0 s3, s7;
	s7 =	simm.s32 @!p0 $0x108  }
0x21: {  	s3 =	sadd.s32 s3, s9;
	s6 =	sadd.s32 @!p0 $0x88, s6;
	s7 =	simm.s32 @p2 $0x1082  }
0x22: {  	[simem:s7], [sflag:s8] =	dma.local @!p0 [hbm:s6], $0xF7A  }
0x23: {  	s9 =	sor.u32 $0xD0000000, s2;
	s6 =	simm.s32 $0x108;
	_ =	swait.ge @!p0 [sflag:s8], $0x0  }
0x24: {  	s3 =	sadd.s32 $0x88, s3;
	s6 =	simm.s32 @!p1 $0x1082;
	[sflag:s4] =	ssyncset.s32 $0xFFFFF086  }
0x25: {  	[simem:s6], [sflag:s4] =	dma.local [hbm:s3], $0xF7A  }
0x26: {  	[smem:$0x3F9D] =	sst s1;
	(tag) =	ssettag s2;
	_ =	strace s9  }
0x27: {  	s1 =	sld [smem:$0x3FAD]  }
0x28: {  	s2 =	sld [smem:$0x3FAE]  }
0x29: {  	s4 =	sld [smem:$0x3FB0]  }
0x2a: {  	p0 =	seq.s32 s5, $0x0;
	s5 =	sld [smem:$0x3FB1]  }
0x2b: {  	s6 =	sld [smem:$0x3FB2]  }
0x2c: {  	s7 =	sld [smem:$0x3FB3]  }
0x2d: {  	s3 =	simm.s32 $0x108;
	s8 =	sld [smem:$0x3FB4]  }
0x2e: {  	s3 =	simm.s32 @!p0 $0x1082;
	s9 =	sld [smem:$0x3FB5]  }
0x2f: {  	lr =	sadd.s32 s0, s3;
	s0 =	sld [smem:$0x3FAC]  }
0x30: {  	s3 =	sld [smem:$0x3FAF]  }
0x31: {  	[smem:$0x3FB8] =	sst s10  }
0x32: {  	s10 =	sld [smem:$0x3FB6];
	_ =	sdelay $0x3  }
0x33: {  	p0 =	seq.s32 s10, $0x1;
	s10 =	sld [smem:$0x3FB8];
	_ =	sdelay $0x3  }
0x34: {  	[smem:$0x3FB8] =	sst s10  }
0x35: {  	s10 =	sld [smem:$0x3FB7];
	_ =	sdelay $0x3  }
0x36: {  	p1 =	seq.s32 s10, $0x1;
	s10 =	sld [smem:$0x3FB8];
	_ =	sdelay $0x3  }
0x37: {  	[smem:$0x3FB8] =	sst s10  }
0x38: {  	s10 =	sld [smem:$0x3FB9]  }
0x39: {  	_ = 	snop;
	(pc) =	sbr.ind lr, $3  }
0x3a: {  	_ = 	snop  }
0x3b: {  	_ = 	snop  }
0x3c: {  	p2 =	seq.s32 s10, $0x1;
	s10 =	sld [smem:$0x3FB8]  }
0x3d: {  	_ =	shalt  }
0x3e: {  	_ =	shalt  }
0x3f: {  	_ =	shalt  }
0x40: {  	_ =	shalt  }
0x41: {  	_ =	shalt  }
0x42: {  	_ =	shalt  }
0x43: {  	_ =	shalt  }
0x44: {  	_ =	shalt  }
0x45: {  	_ =	shalt  }
0x46: {  	_ =	shalt  }
0x47: {  	_ =	shalt  }
0x48: {  	_ =	shalt  }
0x49: {  	_ =	shalt  }
0x4a: {  	_ =	shalt  }
0x4b: {  	_ =	shalt  }
0x4c: {  	_ =	shalt  }
0x4d: {  	_ =	shalt  }
0x4e: {  	_ =	shalt  }
0x4f: {  	_ =	shalt  }
0x50: {  	_ =	shalt  }
0x51: {  	_ =	shalt  }
0x52: {  	_ =	shalt  }
0x53: {  	_ =	shalt  }
0x54: {  	_ =	shalt  }
0x55: {  	_ =	shalt  }
0x56: {  	_ =	shalt  }
0x57: {  	_ =	shalt  }
0x58: {  	_ =	shalt  }
0x59: {  	_ =	shalt  }
0x5a: {  	_ =	shalt  }
0x5b: {  	_ =	shalt  }
0x5c: {  	_ =	shalt  }
0x5d: {  	_ =	shalt  }
0x5e: {  	_ =	shalt  }
0x5f: {  	_ =	shalt  }
0x60: {  	_ =	shalt  }
0x61: {  	_ =	shalt  }
0x62: {  	_ =	shalt  }
0x63: {  	_ =	shalt  }
0x64: {  	_ =	shalt  }
0x65: {  	_ =	shalt  }
0x66: {  	_ =	shalt  }
0x67: {  	_ =	shalt  }
0x68: {  	_ =	shalt  }
0x69: {  	_ =	shalt  }
0x6a: {  	_ =	shalt  }
0x6b: {  	_ =	shalt  }
0x6c: {  	_ =	shalt  }
0x6d: {  	_ =	shalt  }
0x6e: {  	_ =	shalt  }
0x6f: {  	_ =	shalt  }
0x70: {  	_ =	shalt  }
0x71: {  	_ =	shalt  }
0x72: {  	_ =	shalt  }
0x73: {  	_ =	shalt  }
0x74: {  	_ =	shalt  }
0x75: {  	_ =	shalt  }
0x76: {  	_ =	shalt  }
0x77: {  	_ =	shalt  }
0x78: {  	_ =	shalt  }
0x79: {  	_ =	shalt  }
0x7a: {  	_ =	shalt  }
0x7b: {  	_ =	shalt  }
0x7c: {  	_ =	shalt  }
0x7d: {  	_ =	shalt  }
0x7e: {  	_ =	shalt  }
0x7f: {  	_ =	shalt  }
0x80: {  	_ =	shalt  }
0x81: {  	_ =	shalt  }
0x82: {  	_ =	shalt  }
0x83: {  	_ =	shalt  }
0x84: {  	_ =	shalt  }
0x85: {  	_ =	shalt  }
0x86: {  	_ =	shalt  }
0x87: {  	_ =	shalt  }
.Lfunc_end0:
.L_simem_size_0:
called_computation_lowered:
.L_overlay_start_0:
0x88: {  	s2 =	sld [smem:$0x3FD9]  }
0x89: {  	s3 =	sld [smem:$0x3FFE];
	_ =	sdelay $0x1  }
0x8a: {  	s1 =	srdreg.scid  }
0x8b: {  	s0 =	sand.u32 $0x1, s1  }
0x8c: {  	s17 =	sshll.u32 s0, $0xA;
	s2 =	sadd.s32 s3, s2  }
0x8d: {  	s2 =	sadd.s32 s2, s17  }
0x8e: {  	[smem:$0x3FC4] =	sst s2  }
0x8f: {  	_ = 	snop  }
0x90: {  	s2 =	sld [smem:$0x3FD0];
	(tm) =	ssettm $0x1  }
0x91: {  	s18 =	sld [smem:$0x3FFB];
	_ =	sdelay $0x3  }
0x92: {  	_ =	strace s18  }
0x93: {  	s3 =	sld [smem:$0x3FFC];
	_ =	sdelay $0x3  }
0x94: {  	_ =	strace s3  }
0x95: {  	s3 =	sld [smem:$0x3FFD];
	_ =	sdelay $0x3  }
0x96: {  	_ =	strace s3  }
0x97: {  	_ =	strace $0x8FFFFFFF  }
0x98: {  	s19 =	sld [smem:$0x3FDB];
	_ =	sdelay $0x1  }
0x99: {  	s4 =	simm.s32 $_scs_section_size  }
0x9a: {  	s5 =	simm.s32 $_size__tile_overlayer_lowered;
	s6 =	simm.s32 $_tile_overlayer_lowered  }
0x9b: {  	s22 =	simm.s32 $0x1BFF;
	s21 =	sshll.u32 s6, $0x1;
	s3 =	sadd.s32 s4, s19  }
0x9c: {  	s7 =	simm.s32 $0x0;
	s20 =	sshll.u32 s5, $0x1;
	s5 =	sadd.s32 s21, s3  }
0x9d: {  	[timem:s7], [sflag:s22] =	dma.local [hbm:s5], s20  }
0x9e: {  	_ =	swait.ge [sflag:s22], s20  }
0x9f: {  	s4 =	ssub.s32 $0x0, s20;
	[sflag:s22] =	ssyncset.done $0x0  }
0xa0: {  	[sflag:s22] =	ssyncadd.s32 s4;
	_ =	sdelay $0x1  }
0xa1: {  	s23 =	simm.s32 $0x1B8B  }
0xa2: {  	_ =	swait.ge [sflag:s23], $0x1  }
0xa3: {  	[sflag:s23] =	ssyncset.done $0x0  }
0xa4: {  	s25 =	simm.s32 $0x1B8E;
	s24 =	sld [smem:$0x3FFE];
	[sflag:s23] =	ssyncadd.s32 $0xFFFFFFFF  }
0xa5: {  	s26 =	simm.s32 $execute0_lowered;
	[smem:$0x3FD2] =	sst s25  }
0xa6: {  	s5 =	sshll.u32 s26, $0x1;
	_ =	strace $0x80000046;
	[dreg:$0x1] =	wrdreg $0xFFFFFFFF  }
0xa7: {  	s28 =	simm.s32 $_size_execute0_lowered;
	s3 =	sadd.s32 s3, s5;
	[dreg:$0x0] =	wrdreg $0x0  }
0xa8: {  	s5 =	sshll.u32 s28, $0x1;
	[dreg:$0x2] =	wrdreg s3  }
0xa9: {  	[dreg:$0x3] =	wrdreg s5  }
0xaa: {  	[dreg:$0x4] =	wrdreg $0xC0  }
0xab: {  	_ =	task [dreg:s7], $0x5FFFF  }
0xac: {  	[dreg:$0x1] =	wrdreg $0xFFFFFFFF  }
0xad: {  	[dreg:$0x0] =	wrdreg $0x60  }
0xae: {  	[dreg:$0x2] =	wrdreg s24  }
0xaf: {  	[dreg:$0x3] =	wrdreg s2  }
0xb0: {  	[dreg:$0x4] =	wrdreg $0x41000  }
0xb1: {  	[dreg:$0x5] =	wrdreg $0x9  }
0xb2: {  	_ =	task.clear_ibuf [dreg:s7], $0x6FFFF;
	_ =	strace $0x90000046  }
0xb3: {  	s29 =	simm.s32 $0x9;
	_ =	strace $0x80000048  }
0xb4: {  	_ =	swait.ge [sflag:s29], $0x1  }
0xb5: {  	[sflag:s29] =	ssyncadd.s32 $0xFFFFFFFF  }
0xb6: {  	_ =	strace $0x90000048  }
0xb7: {  	_ =	sfence  }
0xb8: {  	s30 =	sld [smem:$0x0];
	_ =	sdelay $0x2  }
0xb9: {  	s31 =	sshll.u32 s1, $0xD;
	s1 =	sshrl.u32 s1, $0x2  }
0xba: {  	s3 =	sand.u32 $0x4000, s31;
	s1 =	sadd.s32 s1, s30  }
0xbb: {  	s0 =	sor.u32 s3, s0;
	s1 =	sshll.u32 s1, $0x11  }
0xbc: {  	s0 =	sor.u32 s1, s0  }
0xbd: {  	s0 =	sadd.s32 $0x8F2B, s0  }
0xbe: {  	[sflag:s0] =	ssyncadd.remote.s32 $0x1  }
0xbf: {  	_ =	sfence.sel $0xFFFF  }
0xc0: {  	[dreg:$0x0] =	wrdreg $0xFFFFFFFF;
	(pc) =	sbr.abs _section_cstart, $3  }
0xc1: {  	[dreg:$0x1] =	wrdreg $0xFFFFFFFF  }
0xc2: {  	_ =	task.clear_ibuf [dreg:s7], $0x2FFFF;
	_ =	strace $0x9FFFFFFF  }
0xc3: {  	(tm) =	ssettm $0x7FFFFFFF  }
tec
execute0_lowered:
.L_overlay_start_1:
0x0: {  	(tag) =	ssettag $0x1  }
0x1: {  	s0 =	rddreg [dreg:$0x0]  }
0x2: {  	s1 =	rddreg [dreg:$0x1]  }
0x3: {  	s2 =	rddreg [dreg:$0x2]  }
0x4: {  	s3 =	simm.s32 $0x0;
	s4 =	srdreg.scid;
	s15 =	stileid.u32  }
0x5: {  	s28 =	simm.s32 $0x100;
	s29 =	simm.s32 $0x4;
	[smem:$0x7FF] =	sst s3  }
0x6: {  	s7 =	sand.u32 $0x1, s4;
	s21 =	sshll.u32 s15, $0x1;
	s23 =	smul.u32 $0x180, s15  }
0x7: {  	s4 =	sadd.s32 $0x1AE00, s0;
	s5 =	sadd.s32 $0x32400, s0;
	s24 =	smul.u32 $0x30000, s15  }
0x8: {  	s10 =	sadd.s32 $0xA00, s0;
	s11 =	sadd.s32 $0x600, s0;
	s19 =	smul.u32 $0xCF60, s15  }
0x9: {  	s6 =	sadd.s32 $0xE00, s0;
	_ =	strace $0x80000047;
	s20 =	smul.u32 $0x67B0, s7  }
0xa: {  	s8 =	sor.u32 s7, s21;
	s12 =	ssub.s32 $0x2, s7;
	s7 =	smul.u32 $0x67B00, s7  }
0xb: {  	s9 =	smul.u32 $0x67B0, s8;
	s22 =	sshrl.u32 s12, $0x1;
	s25 =	sshrl.u32 s23, $0x3  }
0xc: {  	s26 =	sadd.s32 $0x80, s23;
	s8 =	smul.u32 $0x67B00, s8;
	s18 =	sadd.s32 $0x100, s23  }
0xd: {  	s0 =	ssub.s32 s12, s22;
	s14 =	sadd.s32 s10, s25;
	s30 =	sshrl.u32 s26, $0x3  }
0xe: {  	s17 =	sshll.u32 s26, $0x7;
	s12 =	sshrl.u32 s18, $0x3;
	s23 =	sadd.s32 s20, s19  }
0xf: {  	s9 =	sshrl.u32 s9, $0x3;
	s0 =	smax.u32 s0, $0x1;
	[dreg:$0x8] =	wrdreg s14  }
0x10: {  	s16 =	sadd.s32 s11, s30;
	s21 =	sadd.s32 s11, s12;
	[dreg:$0x7] =	wrdreg s0  }
0x11: {  	s22 =	sadd.s32 s1, s8;
	s26 =	sadd.s32 $0x1C0, s23;
	[dreg:$0xc] =	wrdreg s16  }
0x12: {  	s8 =	simm.s32 $0x70;
	s9 =	sadd.s32 s6, s9;
	[dreg:$0xf] =	wrdreg s21  }
0x13: {  	s14 =	simm.s32 $0x7;
	s0 =	sadd.s32 s11, s25;
	[dreg:$0x4] =	wrdreg s9  }
0x14: {  	s20 =	sadd.s32 $0x66D00, s22;
	s13 =	sadd.s32 $0xE, s9;
	[dreg:$0x9] =	wrdreg s0  }
0x15: {  	s25 =	sadd.s32 $0x230, s23;
	s9 =	sadd.s32 $0x1C, s9;
	[dreg:$0x5] =	wrdreg s13  }
0x16: {  	s11 =	simm.s32 $0x3;
	s0 =	sadd.s32 s17, s2;
	[dreg:$0x6] =	wrdreg s9  }
0x17: {  	s16 =	simm.s32 $0x0;
	s9 =	sshrl.u32 s24, $0x2;
	[dreg:$0xd] =	wrdreg s0  }
0x18: {  	s0 =	sshll.u32 s18, $0x7;
	s24 =	smul.u32 $0xCF600, s15;
	s31 =	sadd.s32 s9, s2  }
0x19: {  	s13 =	simm.s32 $0x6;
	s9 =	sadd.s32 s10, s30;
	[dreg:$0xa] =	wrdreg s31  }
0x1a: {  	s15 =	simm.s32 $0x8;
	s10 =	sadd.s32 s10, s12;
	[dreg:$0xb] =	wrdreg s9  }
0x1b: {  	s0 =	sadd.s32 s0, s2;
	s30 =	sshrl.u32 s26, $0x3;
	[dreg:$0xe] =	wrdreg s10  }
0x1c: {  	s26 =	simm.s32 $0x80;
	s12 =	simm.s32 $0x17280;
	[dreg:$0x10] =	wrdreg s0  }
.Ltmp0:
0x1d: {  	s0 =	sshrl.u32 s25, $0x3;
	s1 =	sadd.s32 s24, s1;
	(pc) =	sbr.rel .LBB2_1-.Ltmp0, $4  }
0x1e: {  	s31 =	sadd.s32 $0x150, s23;
	s25 =	simm.s32 $0xA;
	s9 =	simm.s32 $0x10280  }
0x1f: {  	s10 =	simm.s32 $0x2;
	s0 =	sadd.s32 s0, s6;
	[dreg:$0x13] =	wrdreg s31  }
0x20: {  	s22 =	sadd.s32 s7, s1;
	[dreg:$0x11] =	wrdreg s0;
	s0 =	sadd.s32 s30, s6  }
0x21: {  	s7 =	simm.s32 $0x9;
	[dreg:$0x12] =	wrdreg s0;
	s0 =	simm.s32 $0x10200  }
.LBB2_4:
0x22: {  	_ =	swait.ge [sflag:s14], $0x3800  }
0x23: {  	[sflag:s14] =	ssyncset.done $0x0  }
0x24: {  	[sflag:s14] =	ssyncadd.s32 $0xFFFFC800  }
0x25: {  	_ =	swait.ge [sflag:s15], $0x3800  }
0x26: {  	[sflag:s15] =	ssyncset.done $0x0  }
0x27: {  	[sflag:s15] =	ssyncadd.s32 $0xFFFFC800  }
0x28: {  	_ =	swait.ge [sflag:s7], $0x3800  }
0x29: {  	s16 =	sadd.s32 $0x1, s16;
	s1 =	rddreg [dreg:$0x7]  }
0x2a: {  	p0 =	sne.s32 s16, s1  }
.Ltmp1:
0x2b: {  	_ = 	snop;
	(pc) =	sbr.rel @!p0 .LBB2_5-.Ltmp1, $3  }
0x2c: {  	_ =	sdelay $0x1  }
0x2d: {  	[sflag:s7] =	ssyncset.done $0x0  }
0x2e: {  	[sflag:s7] =	ssyncadd.s32 $0xFFFFC800  }
.LBB2_1:
0x2f: {  	s1 =	rddreg [dreg:$0x8]  }
0x30: {  	[tilespmem:s3], [sflag:$0xA] =	stream.linear.gather [hbm4b:s1+s3], $0x80, $0x38;
	[tilespmem:$0x1AA80] =	vst v63  }
0x31: {  	_ =	swait.ge [sflag:s25], $0x80  }
0x32: {  	[sflag:s25] =	ssyncset.done $0x0  }
0x33: {  	s21 =	rddreg [dreg:$0x9];
	[sflag:s25] =	ssyncadd.s32 $0xFFFFFF80  }
0x34: {  	[tilespmem:s26], [sflag:$0xA] =	stream.linear.gather [hbm4b:s21+s3], $0x80, $0x38;
	[tilespmem:$0x1AA80] =	vst v63  }
0x35: {  	_ =	swait.ge [sflag:s25], $0x80  }
0x36: {  	[sflag:s25] =	ssyncset.done $0x0  }
0x37: {  	[sflag:s25] =	ssyncadd.s32 $0xFFFFFF80  }
0x38: {  	[tilespmem:s28], [sflag:$0x4] =	stream.indirect.gather [hbm4b:s4+s26], $0x80, s3, s26, $0xb8;
	[tilespmem:$0x1AA80] =	vst v63  }
0x39: {  	_ =	swait.ge [sflag:s29], $0x4000  }
0x3a: {  	[sflag:s29] =	ssyncset.done $0x0  }
0x3b: {  	[sflag:s29] =	ssyncadd.s32 $0xFFFFC000  }
0x3c: {  	[tilespmem:s28], [sflag:$0x4] =	stream.indirect.gather.add.f32 [hbm:s5], $0x80, s26, s26, $0xb8;
	[tilespmem:$0x1AA80] =	vst v63  }
0x3d: {  	_ =	swait.ge [sflag:s29], $0x4000  }
0x3e: {  	[sflag:s29] =	ssyncset.done $0x0  }
0x3f: {  	s23 =	rddreg [dreg:$0xa];
	[sflag:s29] =	ssyncadd.s32 $0xFFFFC000  }
0x40: {  	[spmem:s23] =	stream.linear.scatter [tilespmem:s28], [sflag:$0xA], $0x4000, $0x38;
	[tilespmem:$0x1AA80] =	vst v63  }
0x41: {  	_ =	swait.ge [sflag:s25], $0x4000  }
0x42: {  	[sflag:s25] =	ssyncset.done $0x0  }
0x43: {  	s24 =	rddreg [dreg:$0xb];
	[sflag:s25] =	ssyncadd.s32 $0xFFFFC000  }
0x44: {  	[tilespmem:s3], [sflag:$0xA] =	stream.linear.gather [hbm4b:s24+s3], $0x80, $0x38;
	[tilespmem:$0x1AA80] =	vst v63  }
0x45: {  	_ =	swait.ge [sflag:s25], $0x80  }
0x46: {  	[sflag:s25] =	ssyncset.done $0x0  }
0x47: {  	s30 =	rddreg [dreg:$0xc];
	[sflag:s25] =	ssyncadd.s32 $0xFFFFFF80  }
0x48: {  	[tilespmem:s26], [sflag:$0xA] =	stream.linear.gather [hbm4b:s30+s3], $0x80, $0x38;
	[tilespmem:$0x1AA80] =	vst v63  }
0x49: {  	_ =	swait.ge [sflag:s25], $0x80  }
0x4a: {  	[sflag:s25] =	ssyncset.done $0x0  }
0x4b: {  	[sflag:s25] =	ssyncadd.s32 $0xFFFFFF80  }
0x4c: {  	[tilespmem:s28], [sflag:$0x4] =	stream.indirect.gather [hbm4b:s4+s26], $0x80, s3, s26, $0xb8;
	[tilespmem:$0x1AA80] =	vst v63  }
0x4d: {  	_ =	swait.ge [sflag:s29], $0x4000  }
0x4e: {  	[sflag:s29] =	ssyncset.done $0x0  }
0x4f: {  	[sflag:s29] =	ssyncadd.s32 $0xFFFFC000  }
0x50: {  	[tilespmem:s28], [sflag:$0x4] =	stream.indirect.gather.add.f32 [hbm:s5], $0x80, s26, s26, $0xb8;
	[tilespmem:$0x1AA80] =	vst v63  }
0x51: {  	_ =	swait.ge [sflag:s29], $0x4000  }
0x52: {  	[sflag:s29] =	ssyncset.done $0x0  }
0x53: {  	s31 =	rddreg [dreg:$0xd];
	[sflag:s29] =	ssyncadd.s32 $0xFFFFC000  }
0x54: {  	[spmem:s31] =	stream.linear.scatter [tilespmem:s28], [sflag:$0xA], $0x4000, $0x38;
	[tilespmem:$0x1AA80] =	vst v63  }
0x55: {  	_ =	swait.ge [sflag:s25], $0x4000  }
0x56: {  	[sflag:s25] =	ssyncset.done $0x0  }
0x57: {  	s17 =	rddreg [dreg:$0xe];
	[sflag:s25] =	ssyncadd.s32 $0xFFFFC000  }
0x58: {  	[tilespmem:s3], [sflag:$0xA] =	stream.linear.gather [hbm4b:s17+s3], $0x80, $0x38;
	[tilespmem:$0x1AA80] =	vst v63  }
0x59: {  	_ =	swait.ge [sflag:s25], $0x80  }
0x5a: {  	[sflag:s25] =	ssyncset.done $0x0  }
0x5b: {  	s18 =	rddreg [dreg:$0xf];
	[sflag:s25] =	ssyncadd.s32 $0xFFFFFF80  }
0x5c: {  	[tilespmem:s26], [sflag:$0xA] =	stream.linear.gather [hbm4b:s18+s3], $0x80, $0x38;
	[tilespmem:$0x1AA80] =	vst v63  }
0x5d: {  	_ =	swait.ge [sflag:s25], $0x80  }
0x5e: {  	[sflag:s25] =	ssyncset.done $0x0  }
0x5f: {  	[sflag:s25] =	ssyncadd.s32 $0xFFFFFF80  }
0x60: {  	[tilespmem:s28], [sflag:$0x4] =	stream.indirect.gather [hbm4b:s4+s26], $0x80, s3, s26, $0xb8;
	[tilespmem:$0x1AA80] =	vst v63  }
0x61: {  	_ =	swait.ge [sflag:s29], $0x4000  }
0x62: {  	[sflag:s29] =	ssyncset.done $0x0  }
0x63: {  	[sflag:s29] =	ssyncadd.s32 $0xFFFFC000  }
0x64: {  	[tilespmem:s28], [sflag:$0x4] =	stream.indirect.gather.add.f32 [hbm:s5], $0x80, s26, s26, $0xb8;
	[tilespmem:$0x1AA80] =	vst v63  }
0x65: {  	_ =	swait.ge [sflag:s29], $0x4000  }
0x66: {  	[sflag:s29] =	ssyncset.done $0x0  }
0x67: {  	s19 =	rddreg [dreg:$0x10];
	[sflag:s29] =	ssyncadd.s32 $0xFFFFC000  }
0x68: {  	[spmem:s19] =	stream.linear.scatter [tilespmem:s28], [sflag:$0xA], $0x4000, $0x38;
	[tilespmem:$0x1AA80] =	vst v63  }
0x69: {  	_ =	swait.ge [sflag:s25], $0x4000  }
0x6a: {  	[sflag:s25] =	ssyncset.done $0x0  }
0x6b: {  	[sflag:s25] =	ssyncadd.s32 $0xFFFFC000  }
0x6c: {  	[bflag:$0x0] =	sbarrier.arrive $0xFFFF  }
0x6d: {  	s17 =	simm.s32 $0x10100;
	s21 =	rddreg [dreg:$0x4]  }
0x6e: {  	[tilespmem:s17], [sflag:$0x1] =	stream.linear.gather [hbm4b:s21+s3], $0x70, $0x38;
	[tilespmem:$0x1AA80] =	vst v63  }
0x6f: {  	s18 =	simm.s32 $0x10180;
	s23 =	rddreg [dreg:$0x5]  }
0x70: {  	[tilespmem:s18], [sflag:$0x2] =	stream.linear.gather [hbm4b:s23+s3], $0x70, $0x38;
	[tilespmem:$0x1AA80] =	vst v63  }
0x71: {  	s30 =	simm.s32 $0x1;
	s24 =	rddreg [dreg:$0x6]  }
0x72: {  	[tilespmem:s0], [sflag:$0x3] =	stream.linear.gather [hbm4b:s24+s3], $0x70, $0x38;
	[tilespmem:$0x1AA80] =	vst v63  }
0x73: {  	_ =	swait.ge [sflag:s30], $0x70  }
0x74: {  	[sflag:s30] =	ssyncset.done $0x0  }
0x75: {  	[sflag:s30] =	ssyncadd.s32 $0xFFFFFF90  }
0x76: {  	[tilespmem:s9], [sflag:$0x4] =	stream.indirect.gather [spmem:s2], $0x80, s17, s8, $0xb8;
	[tilespmem:$0x1AA80] =	vst v63  }
0x77: {  	_ =	swait.ge [sflag:s10], $0x70  }
0x78: {  	[sflag:s10] =	ssyncset.done $0x0  }
0x79: {  	s31 =	simm.s32 $0x13A80;
	[sflag:s10] =	ssyncadd.s32 $0xFFFFFF90  }
0x7a: {  	[tilespmem:s31], [sflag:$0x5] =	stream.indirect.gather [spmem:s2], $0x80, s18, s8, $0xb8;
	[tilespmem:$0x1AA80] =	vst v63  }
0x7b: {  	_ =	swait.ge [sflag:s11], $0x70  }
0x7c: {  	s24 =	rddreg [dreg:$0x13]  }
0x7d: {  	[sflag:s11] =	ssyncset.done $0x0;
	s23 =	rddreg [dreg:$0x12]  }
0x7e: {  	s19 =	simm.s32 $0x0;
	s21 =	rddreg [dreg:$0x11];
	[sflag:s11] =	ssyncadd.s32 $0xFFFFFF90  }
0x7f: {  	[tilespmem:s12], [sflag:$0x6] =	stream.indirect.gather [spmem:s2], $0x80, s0, s8, $0xb8;
	[tilespmem:$0x1AA80] =	vst v63  }
.LBB2_2:
0x80: {  	_ =	swait.ge [sflag:s29], $0x3800  }
0x81: {  	p0 =	seq.s32 s19, $0x66600;
	[sflag:s29] =	ssyncset.done $0x0  }
0x82: {  	s18 =	sadd.s32 s19, s22;
	s30 =	simm.s32 @p0 $0x5;
	[sflag:s29] =	ssyncadd.s32 $0xFFFFC800  }
0x83: {  	[hbm4b:s18+s3] =	stream.linear.scatter [tilespmem:s9], [sflag:$0x7], $0x3800, $0x38;
	[tilespmem:$0x1AA80] =	vst v63  }
0x84: {  	_ =	swait.ge @p0 [sflag:s30], $0x3800  }
0x85: {  	[sflag:s30] =	ssyncset.done @p0 $0x0  }
0x86: {  	s17 =	simm.s32 @p0 $0x13A80;
	[sflag:s30] =	ssyncadd.s32 @p0 $0xFFFFC800;
	s30 =	simm.s32 @p0 $0x0  }
0x87: {  	[hbm4b:s20+s30] =	stream.linear.scatter @p0 [tilespmem:s17], [sflag:$0x8], $0x3800, $0x38;
	[tilespmem:$0x1AA80] =	vst v63  }
0x88: {  	s17 =	sshrl.u32 @!p0 s24, $0x3  }
0x89: {  	s31 =	simm.s32 @!p0 $0x10100;
	s30 =	simm.s32 @!p0 $0x0;
	s17 =	sadd.s32 @!p0 s6, s17  }
0x8a: {  	[tilespmem:s31], [sflag:$0x1] =	stream.linear.gather @!p0 [hbm4b:s17+s30], $0x70, $0x38;
	[tilespmem:$0x1AA80] =	vst v63  }
0x8b: {  	s17 =	simm.s32 @!p0 $0x7  }
0x8c: {  	_ =	swait.ge @!p0 [sflag:s17], $0x3800  }
0x8d: {  	[sflag:s17] =	ssyncset.done @!p0 $0x0  }
0x8e: {  	[sflag:s17] =	ssyncadd.s32 @!p0 $0xFFFFC800;
	s17 =	simm.s32 @!p0 $0x1  }
0x8f: {  	_ =	swait.ge @!p0 [sflag:s17], $0x70  }
0x90: {  	[sflag:s17] =	ssyncset.done @!p0 $0x0  }
0x91: {  	s1 =	simm.s32 @!p0 $0x10280;
	[sflag:s17] =	ssyncadd.s32 @!p0 $0xFFFFFF90;
	s17 =	simm.s32 @!p0 $0x70  }
0x92: {  	[tilespmem:s1], [sflag:$0x4] =	stream.indirect.gather @!p0 [spmem:s2], $0x80, s31, s17, $0xb8;
	[tilespmem:$0x1AA80] =	vst v63  }
0x93: {  	s1 =	simm.s32 @!p0 $0x5  }
0x94: {  	_ =	swait.ge @!p0 [sflag:s1], $0x3800  }
0x95: {  	s31 =	sadd.s32 @!p0 s19, s22;
	[sflag:s1] =	ssyncset.done @!p0 $0x0  }
0x96: {  	[sflag:s1] =	ssyncadd.s32 @!p0 $0xFFFFC800;
	s1 =	sadd.s32 @!p0 $0x700, s31;
	s31 =	simm.s32 @!p0 $0x13A80  }
0x97: {  	[hbm4b:s1+s30] =	stream.linear.scatter @!p0 [tilespmem:s31], [sflag:$0x8], $0x3800, $0x38;
	[tilespmem:$0x1AA80] =	vst v63  }
0x98: {  	s1 =	simm.s32 @!p0 $0x10180  }
0x99: {  	[tilespmem:s1], [sflag:$0x2] =	stream.linear.gather @!p0 [hbm4b:s23+s30], $0x70, $0x38;
	[tilespmem:$0x1AA80] =	vst v63  }
0x9a: {  	s30 =	simm.s32 @!p0 $0x8  }
0x9b: {  	_ =	swait.ge @!p0 [sflag:s30], $0x3800  }
0x9c: {  	[sflag:s30] =	ssyncset.done @!p0 $0x0  }
0x9d: {  	[sflag:s30] =	ssyncadd.s32 @!p0 $0xFFFFC800;
	s30 =	simm.s32 @!p0 $0x2  }
0x9e: {  	_ =	swait.ge @!p0 [sflag:s30], $0x70  }
0x9f: {  	[sflag:s30] =	ssyncset.done @!p0 $0x0  }
0xa0: {  	[sflag:s30] =	ssyncadd.s32 @!p0 $0xFFFFFF90  }
0xa1: {  	[tilespmem:s31], [sflag:$0x5] =	stream.indirect.gather @!p0 [spmem:s2], $0x80, s1, s17, $0xb8;
	[tilespmem:$0x1AA80] =	vst v63  }
.Ltmp2:
0xa2: {  	_ = 	snop;
	(pc) =	sbr.rel @p0 .LBB2_4-.Ltmp2, $4  }
0xa3: {  	_ =	swait.ge [sflag:s13], $0x3800  }
0xa4: {  	[sflag:s13] =	ssyncset.done $0x0  }
0xa5: {  	s31 =	sadd.s32 $0xE00, s18;
	[sflag:s13] =	ssyncadd.s32 $0xFFFFC800  }
0xa6: {  	[hbm4b:s31+s3] =	stream.linear.scatter [tilespmem:s12], [sflag:$0x9], $0x3800, $0x38;
	[tilespmem:$0x1AA80] =	vst v63  }
0xa7: {  	[tilespmem:s0], [sflag:$0x3] =	stream.linear.gather [hbm4b:s21+s3], $0x70, $0x38;
	[tilespmem:$0x1AA80] =	vst v63  }
0xa8: {  	_ =	swait.ge [sflag:s7], $0x3800  }
0xa9: {  	[sflag:s7] =	ssyncset.done $0x0  }
.Ltmp3:
0xaa: {  	[sflag:s7] =	ssyncadd.s32 $0xFFFFC800;
	(pc) =	sbr.rel .LBB2_2-.Ltmp3, $4  }
0xab: {  	_ =	swait.ge [sflag:s11], $0x70  }
0xac: {  	s19 =	sadd.s32 $0x1500, s19;
	s21 =	sadd.s32 $0x2A, s21;
	[sflag:s11] =	ssyncset.done $0x0  }
0xad: {  	s23 =	sadd.s32 $0x2A, s23;
	s24 =	sadd.s32 $0x150, s24;
	[sflag:s11] =	ssyncadd.s32 $0xFFFFFF90  }
0xae: {  	[tilespmem:s12], [sflag:$0x6] =	stream.indirect.gather [spmem:s2], $0x80, s0, s8, $0xb8;
	[tilespmem:$0x1AA80] =	vst v63  }
.LBB2_5:
0xaf: {  	_ =	sfence.sel $0x180000  }
0xb0: {  	[bflag:$0x0] =	sbarrier.arrive $0xFFFF  }
0xb1: {  	_ =	strace $0x90000047  }
0xb2: {  	s0 =	stileid.u32;
	[bflag:$0x2] =	sbarrier.arrive $0xFFFF  }
0xb3: {  	p0 =	sne.s32 s0, $0x0;
	s0 =	rddreg [dreg:$0x3]  }
0xb4: {  	s0 =	sadd.s32 @!p0 $0x100000, s0  }
0xb5: {  	[sflag:s0] =	ssyncadd.tile.s32 @!p0 $0x1;
	_ =	shalt  }
.Lfunc_end2:
_tile_overlayer_lowered:
.L_overlay_start_2:
0xb6: {  	(tag) =	ssettag $0x2  }
0xb7: {  	s0 =	rddreg [dreg:$0x0];
	s2 =	stileid.u32  }
0xb8: {  	s1 =	rddreg [dreg:$0x1];
	p0 =	sne.s32 s2, $0x0  }
0xb9: {  	s3 =	rddreg [dreg:$0x2];
	[bflag:$0x3] =	sbarrier.arrive $0xFFFF;
	s2 =	simm.s32 @!p0 $0x1C0A  }
0xba: {  	[timem:s3], [sflag:s2] =	dma.local @!p0 [hbm:s0], s1  }
0xbb: {  	s0 =	simm.s32 @!p0 $0xA  }
0xbc: {  	_ =	swait.ge @!p0 [sflag:s0], s1  }
0xbd: {  	s1 =	ssub.s32 @!p0 $0x0, s1;
	[sflag:s0] =	ssyncset.done @!p0 $0x0  }
0xbe: {  	[sflag:s0] =	ssyncadd.s32 @!p0 s1  }
0xbf: {  	[bflag:$0x3] =	sbarrier.arrive $0xFFFF  }
0xc0: {  	_ =	shalt  }

</sc_bundles>
